<compile_context>
chip_gen: v7x
topology: tpu7x:2x2x1
jax: 0.10.2.dev20260603
libtpu: 0.0.44.dev20260713+nightly
codegen_flags: <defaults>
</compile_context>

<pallas_src>
import functools

import jax
import jax.numpy as jnp
from jax import lax
from jax.experimental import pallas as pl
from jax.experimental.pallas import tpu as pltpu
from jax.experimental.pallas import tpu_sc as plsc

NUM_LOCATIONS = 100000
NUM_USERS = 100000
D_MODEL = 128
BATCH = 1024
TIME_SLOTS = 8

_INFO = plsc.get_sparse_core_info()
_NC = _INFO.num_cores
_NS = _INFO.num_subcores
_NW = _NC * _NS
_BPW = BATCH // _NW

_D_LOC = D_MODEL // 2
_D_SMALL = D_MODEL // 4

TILE_N = 2048
_GRID_N = (NUM_LOCATIONS + TILE_N - 1) // TILE_N


def _sc_gather_body(loc_idx_hbm, user_idx_hbm,
                    loc_table_hbm, user_table_hbm,
                    loc_out, user_out,
                    idx_v, loc_v, user_v, sem):
    wid = lax.axis_index("s") * _NC + lax.axis_index("c")
    base = wid * _BPW

    pltpu.sync_copy(loc_idx_hbm.at[pl.ds(base, _BPW)], idx_v)
    pltpu.async_copy(loc_table_hbm.at[idx_v], loc_v, sem).wait()
    pltpu.sync_copy(loc_v, loc_out.at[pl.ds(base, _BPW)])

    pltpu.sync_copy(user_idx_hbm.at[pl.ds(base, _BPW)], idx_v)
    pltpu.async_copy(user_table_hbm.at[idx_v], user_v, sem).wait()
    pltpu.sync_copy(user_v, user_out.at[pl.ds(base, _BPW)])


_sc_gather = functools.partial(
    pl.kernel,
    mesh=plsc.VectorSubcoreMesh(core_axis_name="c", subcore_axis_name="s"),
    out_type=(
        jax.ShapeDtypeStruct((BATCH, _D_LOC), jnp.float32),
        jax.ShapeDtypeStruct((BATCH, _D_SMALL), jnp.float32),
    ),
    scratch_types=[
        pltpu.VMEM((_BPW,), jnp.int32),
        pltpu.VMEM((_BPW, _D_LOC), jnp.float32),
        pltpu.VMEM((_BPW, _D_SMALL), jnp.float32),
        pltpu.SemaphoreType.DMA,
    ],
    compiler_params=pltpu.CompilerParams(use_tc_tiling_on_sc=False),
)(_sc_gather_body)


def _tc_matmul_body(loc_ref, time_ref, tt_ref, user_ref, w_ref, b_ref, out_ref):
    ts = jnp.clip(time_ref[...] // 3, 0, 7)
    onehot = (ts == lax.broadcasted_iota(jnp.int32, (BATCH, TIME_SLOTS), 1))
    time_e = lax.dot_general(
        onehot.astype(jnp.float32), tt_ref[...],
        dimension_numbers=(((1,), (0,)), ((), ())),
        preferred_element_type=jnp.float32)
    combined = jnp.concatenate(
        [loc_ref[...], time_e, user_ref[...]], axis=1)
    acc = lax.dot_general(
        w_ref[...].astype(jnp.bfloat16), combined.astype(jnp.bfloat16),
        dimension_numbers=(((1,), (1,)), ((), ())),
        preferred_element_type=jnp.float32)
    out_ref[...] = acc + b_ref[...]


def _tc_matmul(loc_e, time2, time_table, user_e, W, b2):
    return pl.pallas_call(
        _tc_matmul_body,
        grid=(_GRID_N,),
        in_specs=[
            pl.BlockSpec((BATCH, _D_LOC), lambda j: (0, 0)),
            pl.BlockSpec((BATCH, 1), lambda j: (0, 0)),
            pl.BlockSpec((TIME_SLOTS, _D_SMALL), lambda j: (0, 0)),
            pl.BlockSpec((BATCH, _D_SMALL), lambda j: (0, 0)),
            pl.BlockSpec((TILE_N, D_MODEL), lambda j: (j, 0)),
            pl.BlockSpec((TILE_N, 1), lambda j: (j, 0)),
        ],
        out_specs=pl.BlockSpec((TILE_N, BATCH), lambda j: (j, 0)),
        out_shape=jax.ShapeDtypeStruct((NUM_LOCATIONS, BATCH), jnp.float32),
    )(loc_e, time2, time_table, user_e, W, b2)


def kernel(last_location, last_time, user, loc_table, time_table, user_table, W, b):
    loc_e, user_e = _sc_gather(
        last_location.astype(jnp.int32),
        user.astype(jnp.int32),
        loc_table, user_table)
    logits_t = _tc_matmul(loc_e, last_time.astype(jnp.int32).reshape(BATCH, 1),
                          time_table, user_e, W, b.reshape(NUM_LOCATIONS, 1))
    return logits_t.T

# --- scband reference (transcript-rebuilt; emitter-appended) ---
"""Pipeline reference for scband-transition-module-71751723647388 (READ-ONLY COPY).

The authoritative reference and input builder live on the scoring server;
editing this copy changes nothing except your own understanding.
"""

import jax, jax.numpy as jnp
import numpy as np

NUM_LOCATIONS = 100000
NUM_USERS = 100000
D_MODEL = 128
BATCH = 1024


def setup_inputs(seed: int = 0) -> dict:
    key = jax.random.key(seed)
    ks = jax.random.split(key, 8)
    last_location = jax.random.randint(ks[0], (BATCH,), 0, NUM_LOCATIONS)
    last_time = jax.random.randint(ks[1], (BATCH,), 0, 24)
    user = jax.random.randint(ks[2], (BATCH,), 0, NUM_USERS)
    loc_table = jax.random.normal(ks[3], (NUM_LOCATIONS, D_MODEL // 2), dtype=jnp.float32) * 0.02
    loc_table = loc_table.at[0].set(0.0)  # padding_idx=0
    user_table = jax.random.normal(ks[4], (NUM_USERS, D_MODEL // 4), dtype=jnp.float32) * 0.02
    user_table = user_table.at[0].set(0.0)  # padding_idx=0
    time_table = jax.random.normal(ks[5], (8, D_MODEL // 4), dtype=jnp.float32) * 0.02
    time_table = time_table.at[0].set(0.0)  # padding_idx=0
    W = jax.random.normal(ks[6], (NUM_LOCATIONS, D_MODEL), dtype=jnp.float32) * 0.02
    b = jnp.zeros((NUM_LOCATIONS,), dtype=jnp.float32)
    return {
        "last_location": last_location,
        "last_time": last_time,
        "user": user,
        "loc_table": loc_table,
        "time_table": time_table,
        "user_table": user_table,
        "W": W,
        "b": b,
    }


def reference(last_location, last_time, user, loc_table, time_table, user_table, W, b):
    # time_slot = floor(last_time / 3) clamped to [0, 7]
    time_slot = jnp.clip(last_time // 3, 0, 7)
    loc_e = jnp.take(loc_table, last_location, axis=0)
    time_e = jnp.take(time_table, time_slot, axis=0)
    user_e = jnp.take(user_table, user, axis=0)
    combined = jnp.concatenate([loc_e, time_e, user_e], axis=-1)
    logits = combined @ W.T + b
    return logits

if __name__ == "__main__":
    import jax
    _d = setup_inputs()
    print(jax.jit(kernel)(*tuple(_d.values())))

</pallas_src>

<mosaic_0001>
#map = affine_map<(d0, d1) -> (0)>
#map1 = affine_map<(d0, d1) -> (0, 0)>
module attributes {stable_mosaic.version = 14 : i64} {
  func.func @_sc_gather_body(%arg0: i32, %arg1: i32, %arg2: memref<1024xi32, #tpu.memory_space<hbm>>, %arg3: memref<1024xi32, #tpu.memory_space<hbm>>, %arg4: memref<100000x64xf32, #tpu.memory_space<hbm>>, %arg5: memref<100000x32xf32, #tpu.memory_space<hbm>>, %arg6: memref<1024x64xf32, #tpu.memory_space<hbm>>, %arg7: memref<1024x32xf32, #tpu.memory_space<hbm>>, %arg8: memref<32xi32, #tpu.memory_space<vmem>>, %arg9: memref<32x64xf32, #tpu.memory_space<vmem>>, %arg10: memref<32x32xf32, #tpu.memory_space<vmem>>, %arg11: memref<!tpu.dma_semaphore, #tpu.memory_space<semaphore_mem>>) attributes {dimension_semantics = [#tpu.dimension_semantics<core_parallel>, #tpu.dimension_semantics<subcore_parallel>], iteration_bounds = array<i64: 2, 16>, scalar_prefetch = 0 : i64, scratch_operands = 4 : i64, tpu.core_type = #tpu.core_type<sc_vector_subcore>, window_params = [{transform_indices = #map}, {transform_indices = #map}, {transform_indices = #map1}, {transform_indices = #map1}, {transform_indices = #map1}, {transform_indices = #map1}]} {
    %mul3A = arith.constant 2 : i32
    %mul3A_0 = arith.muli %arg1, %mul3A : i32
    %add3A = arith.addi %mul3A_0, %arg0 : i32
    %mul3A_1 = arith.constant 32 : i32
    %mul3A_2 = arith.muli %add3A, %mul3A_1 : i32
    "tpu.region"() ({
      %run_scoped3A = tpu.sem_alloc : memref<!tpu.dma_semaphore, #tpu.memory_space<semaphore_mem>>
      %dma_start3A_13 = tpu.memref_slice %arg2[%mul3A_2] : memref<1024xi32, #tpu.memory_space<hbm>> -> memref<32xi32, #tpu.memory_space<hbm>>
      %dma_start3A_14 = tpu.memref_slice %arg2[%mul3A_2] : memref<1024xi32, #tpu.memory_space<hbm>> -> memref<32xi32, #tpu.memory_space<hbm>>
      tpu.enqueue_dma source(%dma_start3A_14 : memref<32xi32, #tpu.memory_space<hbm>>) target(%arg8 : memref<32xi32, #tpu.memory_space<vmem>>) target_semaphore(%run_scoped3A : memref<!tpu.dma_semaphore, #tpu.memory_space<semaphore_mem>>)
      %dma_wait3A_15 = tpu.memref_slice %arg2[%mul3A_2] : memref<1024xi32, #tpu.memory_space<hbm>> -> memref<32xi32, #tpu.memory_space<hbm>>
      %dma_wait3A_16 = tpu.memref_slice %arg2[%mul3A_2] : memref<1024xi32, #tpu.memory_space<hbm>> -> memref<32xi32, #tpu.memory_space<hbm>>
      tpu.wait_dma2 semaphore(%run_scoped3A : memref<!tpu.dma_semaphore, #tpu.memory_space<semaphore_mem>>) src(%dma_wait3A_16 : memref<32xi32, #tpu.memory_space<hbm>>) dst(%arg8 : memref<32xi32, #tpu.memory_space<vmem>>)
      tpu.yield
    }) : () -> ()
    %dma_start3A = arith.constant 0 : i32
    %dma_start3A_3 = arith.constant 0 : i32
    %dma_start3A_4 = tpu.memref_slice %arg4[%dma_start3A, %dma_start3A_3] : memref<100000x64xf32, #tpu.memory_space<hbm>> -> memref<100000x64xf32, #tpu.memory_space<hbm>>
    tpu.enqueue_indirect_dma source(%dma_start3A_4 : memref<100000x64xf32, #tpu.memory_space<hbm>>) target(%arg9 : memref<32x64xf32, #tpu.memory_space<vmem>>) offsets(%arg8 : memref<32xi32, #tpu.memory_space<vmem>>) semaphore(%arg11 : memref<!tpu.dma_semaphore, #tpu.memory_space<semaphore_mem>>)
    %dma_wait3A = arith.constant 0 : i32
    %dma_wait3A_5 = arith.constant 0 : i32
    %dma_wait3A_6 = tpu.memref_slice %arg4[%dma_wait3A, %dma_wait3A_5] : memref<100000x64xf32, #tpu.memory_space<hbm>> -> memref<100000x64xf32, #tpu.memory_space<hbm>>
    tpu.wait_indirect_dma semaphore(%arg11 : memref<!tpu.dma_semaphore, #tpu.memory_space<semaphore_mem>>) src(%dma_wait3A_6 : memref<100000x64xf32, #tpu.memory_space<hbm>>) dst(%arg9 : memref<32x64xf32, #tpu.memory_space<vmem>>)
    "tpu.region"() ({
      %run_scoped3A = tpu.sem_alloc : memref<!tpu.dma_semaphore, #tpu.memory_space<semaphore_mem>>
      %dma_start3A_13 = arith.constant 0 : i32
      %dma_start3A_14 = tpu.memref_slice %arg6[%mul3A_2, %dma_start3A_13] : memref<1024x64xf32, #tpu.memory_space<hbm>> -> memref<32x64xf32, #tpu.memory_space<hbm>>
      %dma_start3A_15 = arith.constant 0 : i32
      %dma_start3A_16 = tpu.memref_slice %arg6[%mul3A_2, %dma_start3A_15] : memref<1024x64xf32, #tpu.memory_space<hbm>> -> memref<32x64xf32, #tpu.memory_space<hbm>>
      tpu.enqueue_dma source(%arg9 : memref<32x64xf32, #tpu.memory_space<vmem>>) target(%dma_start3A_16 : memref<32x64xf32, #tpu.memory_space<hbm>>) target_semaphore(%run_scoped3A : memref<!tpu.dma_semaphore, #tpu.memory_space<semaphore_mem>>)
      %dma_wait3A_17 = arith.constant 0 : i32
      %dma_wait3A_18 = tpu.memref_slice %arg6[%mul3A_2, %dma_wait3A_17] : memref<1024x64xf32, #tpu.memory_space<hbm>> -> memref<32x64xf32, #tpu.memory_space<hbm>>
      %dma_wait3A_19 = arith.constant 0 : i32
      %dma_wait3A_20 = tpu.memref_slice %arg6[%mul3A_2, %dma_wait3A_19] : memref<1024x64xf32, #tpu.memory_space<hbm>> -> memref<32x64xf32, #tpu.memory_space<hbm>>
      tpu.wait_dma2 semaphore(%run_scoped3A : memref<!tpu.dma_semaphore, #tpu.memory_space<semaphore_mem>>) src(%arg9 : memref<32x64xf32, #tpu.memory_space<vmem>>) dst(%dma_wait3A_20 : memref<32x64xf32, #tpu.memory_space<hbm>>)
      tpu.yield
    }) : () -> ()
    "tpu.region"() ({
      %run_scoped3A = tpu.sem_alloc : memref<!tpu.dma_semaphore, #tpu.memory_space<semaphore_mem>>
      %dma_start3A_13 = tpu.memref_slice %arg3[%mul3A_2] : memref<1024xi32, #tpu.memory_space<hbm>> -> memref<32xi32, #tpu.memory_space<hbm>>
      %dma_start3A_14 = tpu.memref_slice %arg3[%mul3A_2] : memref<1024xi32, #tpu.memory_space<hbm>> -> memref<32xi32, #tpu.memory_space<hbm>>
      tpu.enqueue_dma source(%dma_start3A_14 : memref<32xi32, #tpu.memory_space<hbm>>) target(%arg8 : memref<32xi32, #tpu.memory_space<vmem>>) target_semaphore(%run_scoped3A : memref<!tpu.dma_semaphore, #tpu.memory_space<semaphore_mem>>)
      %dma_wait3A_15 = tpu.memref_slice %arg3[%mul3A_2] : memref<1024xi32, #tpu.memory_space<hbm>> -> memref<32xi32, #tpu.memory_space<hbm>>
      %dma_wait3A_16 = tpu.memref_slice %arg3[%mul3A_2] : memref<1024xi32, #tpu.memory_space<hbm>> -> memref<32xi32, #tpu.memory_space<hbm>>
      tpu.wait_dma2 semaphore(%run_scoped3A : memref<!tpu.dma_semaphore, #tpu.memory_space<semaphore_mem>>) src(%dma_wait3A_16 : memref<32xi32, #tpu.memory_space<hbm>>) dst(%arg8 : memref<32xi32, #tpu.memory_space<vmem>>)
      tpu.yield
    }) : () -> ()
    %dma_start3A_7 = arith.constant 0 : i32
    %dma_start3A_8 = arith.constant 0 : i32
    %dma_start3A_9 = tpu.memref_slice %arg5[%dma_start3A_7, %dma_start3A_8] : memref<100000x32xf32, #tpu.memory_space<hbm>> -> memref<100000x32xf32, #tpu.memory_space<hbm>>
    tpu.enqueue_indirect_dma source(%dma_start3A_9 : memref<100000x32xf32, #tpu.memory_space<hbm>>) target(%arg10 : memref<32x32xf32, #tpu.memory_space<vmem>>) offsets(%arg8 : memref<32xi32, #tpu.memory_space<vmem>>) semaphore(%arg11 : memref<!tpu.dma_semaphore, #tpu.memory_space<semaphore_mem>>)
    %dma_wait3A_10 = arith.constant 0 : i32
    %dma_wait3A_11 = arith.constant 0 : i32
    %dma_wait3A_12 = tpu.memref_slice %arg5[%dma_wait3A_10, %dma_wait3A_11] : memref<100000x32xf32, #tpu.memory_space<hbm>> -> memref<100000x32xf32, #tpu.memory_space<hbm>>
    tpu.wait_indirect_dma semaphore(%arg11 : memref<!tpu.dma_semaphore, #tpu.memory_space<semaphore_mem>>) src(%dma_wait3A_12 : memref<100000x32xf32, #tpu.memory_space<hbm>>) dst(%arg10 : memref<32x32xf32, #tpu.memory_space<vmem>>)
    "tpu.region"() ({
      %run_scoped3A = tpu.sem_alloc : memref<!tpu.dma_semaphore, #tpu.memory_space<semaphore_mem>>
      %dma_start3A_13 = arith.constant 0 : i32
      %dma_start3A_14 = tpu.memref_slice %arg7[%mul3A_2, %dma_start3A_13] : memref<1024x32xf32, #tpu.memory_space<hbm>> -> memref<32x32xf32, #tpu.memory_space<hbm>>
      %dma_start3A_15 = arith.constant 0 : i32
      %dma_start3A_16 = tpu.memref_slice %arg7[%mul3A_2, %dma_start3A_15] : memref<1024x32xf32, #tpu.memory_space<hbm>> -> memref<32x32xf32, #tpu.memory_space<hbm>>
      tpu.enqueue_dma source(%arg10 : memref<32x32xf32, #tpu.memory_space<vmem>>) target(%dma_start3A_16 : memref<32x32xf32, #tpu.memory_space<hbm>>) target_semaphore(%run_scoped3A : memref<!tpu.dma_semaphore, #tpu.memory_space<semaphore_mem>>)
      %dma_wait3A_17 = arith.constant 0 : i32
      %dma_wait3A_18 = tpu.memref_slice %arg7[%mul3A_2, %dma_wait3A_17] : memref<1024x32xf32, #tpu.memory_space<hbm>> -> memref<32x32xf32, #tpu.memory_space<hbm>>
      %dma_wait3A_19 = arith.constant 0 : i32
      %dma_wait3A_20 = tpu.memref_slice %arg7[%mul3A_2, %dma_wait3A_19] : memref<1024x32xf32, #tpu.memory_space<hbm>> -> memref<32x32xf32, #tpu.memory_space<hbm>>
      tpu.wait_dma2 semaphore(%run_scoped3A : memref<!tpu.dma_semaphore, #tpu.memory_space<semaphore_mem>>) src(%arg10 : memref<32x32xf32, #tpu.memory_space<vmem>>) dst(%dma_wait3A_20 : memref<32x32xf32, #tpu.memory_space<hbm>>)
      tpu.yield
    }) : () -> ()
    return
  }
}

module attributes {stable_mosaic.version = 14 : i64} {
  func.func @_tc_matmul_body(%arg0: i32, %arg1: memref<1024x64xf32, #tpu.memory_space<vmem>>, %arg2: memref<1024x1xi32, #tpu.memory_space<vmem>>, %arg3: memref<8x32xf32, #tpu.memory_space<vmem>>, %arg4: memref<1024x32xf32, #tpu.memory_space<vmem>>, %arg5: memref<2048x128xf32, #tpu.memory_space<vmem>>, %arg6: memref<2048x1xf32, #tpu.memory_space<vmem>>, %arg7: memref<2048x1024xf32, #tpu.memory_space<vmem>>) attributes {dimension_semantics = [#tpu.dimension_semantics<arbitrary>], iteration_bounds = array<i64: 49>, scalar_prefetch = 0 : i64, scratch_operands = 0 : i64, tpu.core_type = #tpu.core_type<tc>, window_params = [{pipeline_mode = #tpu.pipeline_mode<synchronous>, transform_indices = @transform_0, window_bounds = array<i64: 1024, 64>}, {pipeline_mode = #tpu.pipeline_mode<synchronous>, transform_indices = @transform_1, window_bounds = array<i64: 1024, 1>}, {pipeline_mode = #tpu.pipeline_mode<synchronous>, transform_indices = @transform_2, window_bounds = array<i64: 8, 32>}, {pipeline_mode = #tpu.pipeline_mode<synchronous>, transform_indices = @transform_3, window_bounds = array<i64: 1024, 32>}, {transform_indices = @transform_4, window_bounds = array<i64: 2048, 128>}, {transform_indices = @transform_5, window_bounds = array<i64: 2048, 1>}, {transform_indices = @transform_6, window_bounds = array<i64: 2048, 1024>}]} {
    %get3A = arith.constant 0 : index
    %get3A_0 = arith.constant 0 : index
    %get3A_1 = vector.load %arg2[%get3A, %get3A_0] : memref<1024x1xi32, #tpu.memory_space<vmem>>, vector<1024x1xi32>
    %jit3A = arith.constant 3 : i32
    %div3A = vector.broadcast %jit3A : i32 to vector<1024x1xi32>
    %div3A_2 = arith.divsi %get3A_1, %div3A : vector<1024x1xi32>
    %sign3A = arith.constant 0 : i32
    %sign3A_3 = vector.broadcast %sign3A : i32 to vector<1024x1xi32>
    %sign3A_4 = arith.cmpi sgt, %get3A_1, %sign3A_3 : vector<1024x1xi32>
    %sign3A_5 = arith.extui %sign3A_4 : vector<1024x1xi1> to vector<1024x1xi32>
    %sign3A_6 = arith.constant 0 : i32
    %sign3A_7 = vector.broadcast %sign3A_6 : i32 to vector<1024x1xi32>
    %sign3A_8 = arith.cmpi slt, %get3A_1, %sign3A_7 : vector<1024x1xi32>
    %sign3A_9 = arith.extui %sign3A_8 : vector<1024x1xi1> to vector<1024x1xi32>
    %sign3A_10 = arith.subi %sign3A_5, %sign3A_9 : vector<1024x1xi32>
    %sign3A_11 = arith.constant 0 : i32
    %sign3A_12 = arith.cmpi sgt, %jit3A, %sign3A_11 : i32
    %sign3A_13 = arith.extui %sign3A_12 : i1 to i32
    %sign3A_14 = arith.constant 0 : i32
    %sign3A_15 = arith.cmpi slt, %jit3A, %sign3A_14 : i32
    %sign3A_16 = arith.extui %sign3A_15 : i1 to i32
    %sign3A_17 = arith.subi %sign3A_13, %sign3A_16 : i32
    %ne3A = vector.broadcast %sign3A_17 : i32 to vector<1024x1xi32>
    %ne3A_18 = arith.cmpi ne, %sign3A_10, %ne3A : vector<1024x1xi32>
    %rem3A = vector.broadcast %jit3A : i32 to vector<1024x1xi32>
    %rem3A_19 = arith.remsi %get3A_1, %rem3A : vector<1024x1xi32>
    %ne3A_20 = arith.constant 0 : i32
    %ne3A_21 = vector.broadcast %ne3A_20 : i32 to vector<1024x1xi32>
    %ne3A_22 = arith.cmpi ne, %rem3A_19, %ne3A_21 : vector<1024x1xi32>
    %and3A = arith.andi %ne3A_18, %ne3A_22 : vector<1024x1xi1>
    %sub3A = arith.constant 1 : i32
    %sub3A_23 = vector.broadcast %sub3A : i32 to vector<1024x1xi32>
    %sub3A_24 = arith.subi %div3A_2, %sub3A_23 : vector<1024x1xi32>
    %select_n3A = arith.select %and3A, %sub3A_24, %div3A_2 : vector<1024x1xi1>, vector<1024x1xi32>
    %jit3A_25 = arith.constant 0 : i32
    %jit3A_26 = arith.constant 7 : i32
    %max3A = vector.broadcast %jit3A_25 : i32 to vector<1024x1xi32>
    %max3A_27 = arith.maxsi %max3A, %select_n3A : vector<1024x1xi32>
    %min3A = vector.broadcast %jit3A_26 : i32 to vector<1024x1xi32>
    %min3A_28 = arith.minsi %min3A, %max3A_27 : vector<1024x1xi32>
    %iota3A = tpu.iota {dimensions = array<i32: 1>} : vector<1024x8xi32>
    %eq3A = vector.broadcast %min3A_28 : vector<1024x1xi32> to vector<1024x8xi32>
    %eq3A_29 = arith.cmpi eq, %eq3A, %iota3A : vector<1024x8xi32>
    %convert_element_type3A = arith.extui %eq3A_29 : vector<1024x8xi1> to vector<1024x8xi32>
    %convert_element_type3A_30 = arith.sitofp %convert_element_type3A : vector<1024x8xi32> to vector<1024x8xf32>
    %get3A_31 = arith.constant 0 : index
    %get3A_32 = arith.constant 0 : index
    %get3A_33 = vector.load %arg3[%get3A_31, %get3A_32] : memref<8x32xf32, #tpu.memory_space<vmem>>, vector<8x32xf32>
    %dot_general3A = arith.constant dense<0.000000e+00> : vector<1024x32xf32>
    %dot_general3A_34 = tpu.matmul %convert_element_type3A_30, %get3A_33, %dot_general3A {dimension_numbers = #tpu.dot_dimension_numbers<[1], [0], [0], [1], [0, 0, 1, 1], [], []>, transpose_lhs_hint = false} : vector<1024x8xf32>, vector<8x32xf32>, vector<1024x32xf32> -> vector<1024x32xf32>
    %get3A_35 = arith.constant 0 : index
    %get3A_36 = arith.constant 0 : index
    %get3A_37 = vector.load %arg1[%get3A_35, %get3A_36] : memref<1024x64xf32, #tpu.memory_space<vmem>>, vector<1024x64xf32>
    %get3A_38 = arith.constant 0 : index
    %get3A_39 = arith.constant 0 : index
    %get3A_40 = vector.load %arg4[%get3A_38, %get3A_39] : memref<1024x32xf32, #tpu.memory_space<vmem>>, vector<1024x32xf32>
    %concatenate3A = tpu.concatenate %get3A_37, %dot_general3A_34, %get3A_40 in 1 : vector<1024x64xf32>, vector<1024x32xf32>, vector<1024x32xf32> -> vector<1024x128xf32>
    %get3A_41 = arith.constant 0 : index
    %get3A_42 = arith.constant 0 : index
    %get3A_43 = vector.load %arg5[%get3A_41, %get3A_42] : memref<2048x128xf32, #tpu.memory_space<vmem>>, vector<2048x128xf32>
    %convert_element_type3A_44 = arith.truncf %get3A_43 : vector<2048x128xf32> to vector<2048x128xbf16>
    %convert_element_type3A_45 = arith.truncf %concatenate3A : vector<1024x128xf32> to vector<1024x128xbf16>
    %dot_general3A_46 = arith.constant dense<0.000000e+00> : vector<2048x1024xf32>
    %dot_general3A_47 = tpu.matmul %convert_element_type3A_44, %convert_element_type3A_45, %dot_general3A_46 {dimension_numbers = #tpu.dot_dimension_numbers<[1], [1], [0], [0], [0, 0, 1, 0], [], []>, transpose_lhs_hint = false} : vector<2048x128xbf16>, vector<1024x128xbf16>, vector<2048x1024xf32> -> vector<2048x1024xf32>
    %get3A_48 = arith.constant 0 : index
    %get3A_49 = arith.constant 0 : index
    %get3A_50 = vector.load %arg6[%get3A_48, %get3A_49] : memref<2048x1xf32, #tpu.memory_space<vmem>>, vector<2048x1xf32>
    %add3A = vector.broadcast %get3A_50 : vector<2048x1xf32> to vector<2048x1024xf32>
    %add3A_51 = arith.addf %dot_general3A_47, %add3A : vector<2048x1024xf32>
    %swap3A = arith.constant 0 : index
    %swap3A_52 = arith.constant 0 : index
    %swap3A_53 = vector.load %arg7[%swap3A, %swap3A_52] : memref<2048x1024xf32, #tpu.memory_space<vmem>>, vector<2048x1024xf32>
    tpu.vector_store %arg7[%swap3A, %swap3A_52], %add3A_51 {strides = array<i32>} : memref<2048x1024xf32, #tpu.memory_space<vmem>>, vector<2048x1024xf32>,
    return
  }
  func.func @transform_0(%arg0: i32) -> (i32, i32) {
    %c0_i32 = arith.constant 0 : i32
    %c0_i32_0 = arith.constant 0 : i32
    %c0_i32_1 = arith.constant 0 : i32
    return %c0_i32, %c0_i32_0 : i32, i32
  }
  func.func @transform_1(%arg0: i32) -> (i32, i32) {
    %c0_i32 = arith.constant 0 : i32
    %c0_i32_0 = arith.constant 0 : i32
    %c0_i32_1 = arith.constant 0 : i32
    return %c0_i32, %c0_i32_0 : i32, i32
  }
  func.func @transform_2(%arg0: i32) -> (i32, i32) {
    %c0_i32 = arith.constant 0 : i32
    %c0_i32_0 = arith.constant 0 : i32
    %c0_i32_1 = arith.constant 0 : i32
    return %c0_i32, %c0_i32_0 : i32, i32
  }
  func.func @transform_3(%arg0: i32) -> (i32, i32) {
    %c0_i32 = arith.constant 0 : i32
    %c0_i32_0 = arith.constant 0 : i32
    %c0_i32_1 = arith.constant 0 : i32
    return %c0_i32, %c0_i32_0 : i32, i32
  }
  func.func @transform_4(%arg0: i32) -> (i32, i32) {
    %c0_i32 = arith.constant 0 : i32
    %c0_i32_0 = arith.constant 0 : i32
    return %arg0, %c0_i32 : i32, i32
  }
  func.func @transform_5(%arg0: i32) -> (i32, i32) {
    %c0_i32 = arith.constant 0 : i32
    %c0_i32_0 = arith.constant 0 : i32
    return %arg0, %c0_i32 : i32, i32
  }
  func.func @transform_6(%arg0: i32) -> (i32, i32) {
    %c0_i32 = arith.constant 0 : i32
    %c0_i32_0 = arith.constant 0 : i32
    return %arg0, %c0_i32 : i32, i32
  }
}

</mosaic_0001>

<sc_bundles>
// kernel: kernel.4.cloned.1.call-start
scs
__scs_entry_jumppad:
0x0: {  	(pc) =	sbr.rel $0x88, $3  }
0x1: {  	(tag) =	ssettag $0x0;
	lr =	simm.s32 $0x1  }
0x2: {  	[smem:$0x3F99] =	sst lr;
	_ =	strace $0xD0000000  }
0x3: {  	_ = 	snop  }
0x4: {  	_ = 	snop  }
0x5: {  	_ = 	snop  }
0x6: {  	_ = 	snop  }
0x7: {  	_ = 	snop  }
__scs_overlays_trampoline_lowered:
0x8: {  	[smem:$0x3FA8] =	sst s0  }
0x9: {  	[smem:$0x3FA9] =	sst s1  }
0xa: {  	[smem:$0x3FAA] =	sst s2  }
0xb: {  	[smem:$0x3FAB] =	sst s3  }
0xc: {  	[smem:$0x3FAC] =	sst s4  }
0xd: {  	[smem:$0x3FAD] =	sst s5  }
0xe: {  	[smem:$0x3FAE] =	sst s6  }
0xf: {  	[smem:$0x3FAF] =	sst s7  }
0x10: {  	[smem:$0x3FB0] =	sst s8  }
0x11: {  	[smem:$0x3FB1] =	sst s9;
	s0 =	simm.s32 @!p0 $0x0  }
0x12: {  	s1 =	sld [smem:$0x3F97];
	s0 =	simm.s32 @p0 $0x1  }
0x13: {  	[smem:$0x3FB2] =	sst s0;
	s0 =	simm.s32 @!p1 $0x0  }
0x14: {  	s2 =	sld [smem:$0x3F96];
	s0 =	simm.s32 @p1 $0x1  }
0x15: {  	[smem:$0x3FB3] =	sst s0;
	s0 =	simm.s32 @!p2 $0x0  }
0x16: {  	s3 =	sld [smem:$0x3FDB];
	s0 =	simm.s32 @p2 $0x1  }
0x17: {  	s4 =	simm.s32 $0x1BF5;
	[smem:$0x3FB5] =	sst s0  }
0x18: {  	s0 =	sld [smem:$0x3F98];
	_ =	swait.ge [sflag:s4], $0x0  }
0x19: {  	s7 =	sld [smem:$0x3F99]  }
0x1a: {  	s8 =	sadd.s32 $0xFFFFE003, lr  }
0x1b: {  	s9 =	sadd.s32 $0xFFFFFEF7, lr;
	s5 =	simm.s32 $0xFFFFFFFF;
	p2 =	slt.u32 s8, $0xFFFFF086  }
0x1c: {  	p1 =	slt.u32 s9, $0xF7A;
	s5 =	simm.s32 @!p2 $0x0  }
0x1d: {  	s5 =	simm.s32 @p1 $0x1;
	p0 =	seq.s32 s7, s2  }
0x1e: {  	s7 =	smul.u32 @!p0 $0xF7A, s2;
	p2 =	seq.s32 @!p0 s5, $0x0  }
0x1f: {  	s9 =	smul.u32 $0xF7A, s1;
	s8 =	simm.s32 @!p0 $0x1BF5;
	p2 =	por !p2, p0  }
0x20: {  	[sflag:s8] =	ssyncset.s32 @!p0 $0xFFFFF086;
	s6 =	sadd.s32 @!p0 s3, s7;
	s7 =	simm.s32 @!p0 $0x108  }
0x21: {  	s3 =	sadd.s32 s3, s9;
	s6 =	sadd.s32 @!p0 $0x88, s6;
	s7 =	simm.s32 @p2 $0x1082  }
0x22: {  	[simem:s7], [sflag:s8] =	dma.local @!p0 [hbm:s6], $0xF7A  }
0x23: {  	s9 =	sor.u32 $0xD0000000, s2;
	s6 =	simm.s32 $0x108;
	_ =	swait.ge @!p0 [sflag:s8], $0x0  }
0x24: {  	s3 =	sadd.s32 $0x88, s3;
	s6 =	simm.s32 @!p1 $0x1082;
	[sflag:s4] =	ssyncset.s32 $0xFFFFF086  }
0x25: {  	[simem:s6], [sflag:s4] =	dma.local [hbm:s3], $0xF7A  }
0x26: {  	[smem:$0x3F99] =	sst s1;
	(tag) =	ssettag s2;
	_ =	strace s9  }
0x27: {  	s1 =	sld [smem:$0x3FA9]  }
0x28: {  	s2 =	sld [smem:$0x3FAA]  }
0x29: {  	s4 =	sld [smem:$0x3FAC]  }
0x2a: {  	p0 =	seq.s32 s5, $0x0;
	s5 =	sld [smem:$0x3FAD]  }
0x2b: {  	s6 =	sld [smem:$0x3FAE]  }
0x2c: {  	s7 =	sld [smem:$0x3FAF]  }
0x2d: {  	s3 =	simm.s32 $0x108;
	s8 =	sld [smem:$0x3FB0]  }
0x2e: {  	s3 =	simm.s32 @!p0 $0x1082;
	s9 =	sld [smem:$0x3FB1]  }
0x2f: {  	lr =	sadd.s32 s0, s3;
	s0 =	sld [smem:$0x3FA8]  }
0x30: {  	s3 =	sld [smem:$0x3FAB]  }
0x31: {  	[smem:$0x3FB4] =	sst s10  }
0x32: {  	s10 =	sld [smem:$0x3FB2];
	_ =	sdelay $0x3  }
0x33: {  	p0 =	seq.s32 s10, $0x1;
	s10 =	sld [smem:$0x3FB4];
	_ =	sdelay $0x3  }
0x34: {  	[smem:$0x3FB4] =	sst s10  }
0x35: {  	s10 =	sld [smem:$0x3FB3];
	_ =	sdelay $0x3  }
0x36: {  	p1 =	seq.s32 s10, $0x1;
	s10 =	sld [smem:$0x3FB4];
	_ =	sdelay $0x3  }
0x37: {  	[smem:$0x3FB4] =	sst s10  }
0x38: {  	s10 =	sld [smem:$0x3FB5]  }
0x39: {  	_ = 	snop;
	(pc) =	sbr.ind lr, $3  }
0x3a: {  	_ = 	snop  }
0x3b: {  	_ = 	snop  }
0x3c: {  	p2 =	seq.s32 s10, $0x1;
	s10 =	sld [smem:$0x3FB4]  }
0x3d: {  	_ =	shalt  }
0x3e: {  	_ =	shalt  }
0x3f: {  	_ =	shalt  }
0x40: {  	_ =	shalt  }
0x41: {  	_ =	shalt  }
0x42: {  	_ =	shalt  }
0x43: {  	_ =	shalt  }
0x44: {  	_ =	shalt  }
0x45: {  	_ =	shalt  }
0x46: {  	_ =	shalt  }
0x47: {  	_ =	shalt  }
0x48: {  	_ =	shalt  }
0x49: {  	_ =	shalt  }
0x4a: {  	_ =	shalt  }
0x4b: {  	_ =	shalt  }
0x4c: {  	_ =	shalt  }
0x4d: {  	_ =	shalt  }
0x4e: {  	_ =	shalt  }
0x4f: {  	_ =	shalt  }
0x50: {  	_ =	shalt  }
0x51: {  	_ =	shalt  }
0x52: {  	_ =	shalt  }
0x53: {  	_ =	shalt  }
0x54: {  	_ =	shalt  }
0x55: {  	_ =	shalt  }
0x56: {  	_ =	shalt  }
0x57: {  	_ =	shalt  }
0x58: {  	_ =	shalt  }
0x59: {  	_ =	shalt  }
0x5a: {  	_ =	shalt  }
0x5b: {  	_ =	shalt  }
0x5c: {  	_ =	shalt  }
0x5d: {  	_ =	shalt  }
0x5e: {  	_ =	shalt  }
0x5f: {  	_ =	shalt  }
0x60: {  	_ =	shalt  }
0x61: {  	_ =	shalt  }
0x62: {  	_ =	shalt  }
0x63: {  	_ =	shalt  }
0x64: {  	_ =	shalt  }
0x65: {  	_ =	shalt  }
0x66: {  	_ =	shalt  }
0x67: {  	_ =	shalt  }
0x68: {  	_ =	shalt  }
0x69: {  	_ =	shalt  }
0x6a: {  	_ =	shalt  }
0x6b: {  	_ =	shalt  }
0x6c: {  	_ =	shalt  }
0x6d: {  	_ =	shalt  }
0x6e: {  	_ =	shalt  }
0x6f: {  	_ =	shalt  }
0x70: {  	_ =	shalt  }
0x71: {  	_ =	shalt  }
0x72: {  	_ =	shalt  }
0x73: {  	_ =	shalt  }
0x74: {  	_ =	shalt  }
0x75: {  	_ =	shalt  }
0x76: {  	_ =	shalt  }
0x77: {  	_ =	shalt  }
0x78: {  	_ =	shalt  }
0x79: {  	_ =	shalt  }
0x7a: {  	_ =	shalt  }
0x7b: {  	_ =	shalt  }
0x7c: {  	_ =	shalt  }
0x7d: {  	_ =	shalt  }
0x7e: {  	_ =	shalt  }
0x7f: {  	_ =	shalt  }
0x80: {  	_ =	shalt  }
0x81: {  	_ =	shalt  }
0x82: {  	_ =	shalt  }
0x83: {  	_ =	shalt  }
0x84: {  	_ =	shalt  }
0x85: {  	_ =	shalt  }
0x86: {  	_ =	shalt  }
0x87: {  	_ =	shalt  }
.Lfunc_end0:
.L_simem_size_0:
called_computation_lowered:
.L_overlay_start_0:
0x88: {  	s2 =	sld [smem:$0x3FD9]  }
0x89: {  	s3 =	sld [smem:$0x3FFE];
	_ =	sdelay $0x1  }
0x8a: {  	s1 =	srdreg.scid  }
0x8b: {  	s0 =	sand.u32 $0x1, s1  }
0x8c: {  	s17 =	sshll.u32 s0, $0xA;
	s2 =	sadd.s32 s3, s2  }
0x8d: {  	s2 =	sadd.s32 s2, s17  }
0x8e: {  	[smem:$0x3FC0] =	sst s2  }
0x8f: {  	_ = 	snop  }
0x90: {  	s2 =	sld [smem:$0x3FC9]  }
0x91: {  	s18 =	sld [smem:$0x3FC7]  }
0x92: {  	s4 =	sld [smem:$0x3FD0];
	(tm) =	ssettm $0x1  }
0x93: {  	s5 =	sld [smem:$0x3FFB];
	_ =	sdelay $0x3  }
0x94: {  	_ =	strace s5  }
0x95: {  	s5 =	sld [smem:$0x3FFC];
	_ =	sdelay $0x3  }
0x96: {  	_ =	strace s5  }
0x97: {  	s5 =	sld [smem:$0x3FFD];
	_ =	sdelay $0x3  }
0x98: {  	_ =	strace s5  }
0x99: {  	_ =	strace $0x8FFFFFFF  }
0x9a: {  	s19 =	sld [smem:$0x3FDB];
	_ =	sdelay $0x1  }
0x9b: {  	s6 =	simm.s32 $_scs_section_size  }
0x9c: {  	s7 =	simm.s32 $_size__tile_overlayer_lowered;
	s8 =	simm.s32 $_tile_overlayer_lowered  }
0x9d: {  	s22 =	simm.s32 $0x1BFF;
	s21 =	sshll.u32 s8, $0x1;
	s5 =	sadd.s32 s6, s19  }
0x9e: {  	s9 =	simm.s32 $0x0;
	s20 =	sshll.u32 s7, $0x1;
	s7 =	sadd.s32 s21, s5  }
0x9f: {  	[timem:s9], [sflag:s22] =	dma.local [hbm:s7], s20  }
0xa0: {  	_ =	swait.ge [sflag:s22], s20  }
0xa1: {  	s6 =	ssub.s32 $0x0, s20;
	[sflag:s22] =	ssyncset.done $0x0  }
0xa2: {  	[sflag:s22] =	ssyncadd.s32 s6;
	_ =	sdelay $0x1  }
0xa3: {  	s23 =	simm.s32 $0x1B8B  }
0xa4: {  	_ =	swait.ge [sflag:s23], $0x1  }
0xa5: {  	[sflag:s23] =	ssyncset.done $0x0  }
0xa6: {  	s25 =	simm.s32 $0x1B8E;
	s24 =	sld [smem:$0x3FFE];
	[sflag:s23] =	ssyncadd.s32 $0xFFFFFFFF  }
0xa7: {  	s26 =	simm.s32 $execute0_lowered;
	[smem:$0x3FD2] =	sst s25  }
0xa8: {  	s7 =	sshll.u32 s26, $0x1;
	_ =	strace $0x80000046;
	[dreg:$0x1] =	wrdreg $0xFFFFFFFF  }
0xa9: {  	s28 =	simm.s32 $_size_execute0_lowered;
	s5 =	sadd.s32 s5, s7;
	[dreg:$0x0] =	wrdreg $0x0  }
0xaa: {  	s7 =	sshll.u32 s28, $0x1;
	[dreg:$0x2] =	wrdreg s5  }
0xab: {  	[dreg:$0x3] =	wrdreg s7  }
0xac: {  	[dreg:$0x4] =	wrdreg $0xC0  }
0xad: {  	_ =	task [dreg:s9], $0x5FFFF  }
0xae: {  	[dreg:$0x1] =	wrdreg $0xFFFFFFFF  }
0xaf: {  	[dreg:$0x0] =	wrdreg $0x60  }
0xb0: {  	[dreg:$0x2] =	wrdreg s2  }
0xb1: {  	[dreg:$0x3] =	wrdreg s18  }
0xb2: {  	[dreg:$0x4] =	wrdreg s24  }
0xb3: {  	[dreg:$0x5] =	wrdreg s4  }
0xb4: {  	[dreg:$0x6] =	wrdreg $0x9  }
0xb5: {  	_ =	task.clear_ibuf [dreg:s9], $0x7FFFF;
	_ =	strace $0x90000046  }
0xb6: {  	s29 =	simm.s32 $0x9;
	_ =	strace $0x80000048  }
0xb7: {  	_ =	swait.ge [sflag:s29], $0x1  }
0xb8: {  	[sflag:s29] =	ssyncadd.s32 $0xFFFFFFFF  }
0xb9: {  	_ =	strace $0x90000048  }
0xba: {  	_ =	sfence  }
0xbb: {  	s30 =	sld [smem:$0x0];
	_ =	sdelay $0x2  }
0xbc: {  	s31 =	sshll.u32 s1, $0xD;
	s1 =	sshrl.u32 s1, $0x2  }
0xbd: {  	s3 =	sand.u32 $0x4000, s31;
	s1 =	sadd.s32 s1, s30  }
0xbe: {  	s0 =	sor.u32 s3, s0;
	s1 =	sshll.u32 s1, $0x11  }
0xbf: {  	s0 =	sor.u32 s1, s0  }
0xc0: {  	s0 =	sadd.s32 $0x8F2B, s0  }
0xc1: {  	[sflag:s0] =	ssyncadd.remote.s32 $0x1  }
0xc2: {  	_ =	sfence.sel $0xFFFF  }
0xc3: {  	[dreg:$0x0] =	wrdreg $0xFFFFFFFF;
	(pc) =	sbr.abs _section_cstart, $3  }
0xc4: {  	[dreg:$0x1] =	wrdreg $0xFFFFFFFF  }
0xc5: {  	_ =	task.clear_ibuf [dreg:s9], $0x2FFFF;
	_ =	strace $0x9FFFFFFF  }
0xc6: {  	(tm) =	ssettm $0x7FFFFFFF  }
0xc7: {  	_ =	shalt  }
tec
execute0_lowered:
.L_overlay_start_1:
0x0: {  	(tag) =	ssettag $0x1  }
0x1: {  	s3 =	rddreg [dreg:$0x0]  }
0x2: {  	s9 =	rddreg [dreg:$0x1];
	s1 =	srdreg.scid  }
0x3: {  	s12 =	rddreg [dreg:$0x2];
	s0 =	stileid.u32;
	s11 =	sand.u32 $0x1, s1  }
0x4: {  	s8 =	rddreg [dreg:$0x3];
	s4 =	sshll.u32 s0, $0x6;
	s5 =	sshll.u32 s11, $0x5  }
0x5: {  	s2 =	simm.s32 $0x0;
	s1 =	rddreg [dreg:$0x4];
	s13 =	sor.u32 s5, s4  }
0x6: {  	[smem:$0x7FF] =	sst s2;
	s10 =	sshrl.u32 s13, $0x3  }
0x7: {  	_ =	strace $0x80000047;
	s4 =	sadd.s32 s3, s10;
	s3 =	simm.s32 $0x2  }
0x8: {  	[tilespmem:s2], [sflag:$0x2] =	stream.linear.gather [hbm4b:s4+s2], $0x20, $0x38;
	[tilespmem:$0xC20] =	vst v63  }
0x9: {  	_ =	swait.ge [sflag:s3], $0x20  }
0xa: {  	s6 =	simm.s32 $0x20;
	[sflag:s3] =	ssyncset.done $0x0  }
0xb: {  	s7 =	simm.s32 $0x1;
	s5 =	sadd.s32 $0x1E00, s12;
	[sflag:s3] =	ssyncadd.s32 $0xFFFFFFE0  }
0xc: {  	[tilespmem:s6], [sflag:$0x1] =	stream.indirect.gather [hbm4b:s5+s6], $0x40, s2, s6, $0xb8;
	[tilespmem:$0xC20] =	vst v63  }
0xd: {  	_ =	swait.ge [sflag:s7], $0x800  }
0xe: {  	s14 =	sshll.u32 s13, $0x3;
	[sflag:s7] =	ssyncset.done $0x0  }
0xf: {  	s8 =	sadd.s32 s8, s14;
	[sflag:s7] =	ssyncadd.s32 $0xFFFFF800  }
0x10: {  	[hbm4b:s8+s2] =	stream.linear.scatter [tilespmem:s6], [sflag:$0x2], $0x800, $0x38;
	[tilespmem:$0xC20] =	vst v63  }
0x11: {  	_ =	swait.ge [sflag:s3], $0x800  }
0x12: {  	s30 =	ssub.s32 $0x2, s11;
	[sflag:s3] =	ssyncset.done $0x0  }
0x13: {  	s11 =	simm.s32 $0x820;
	s9 =	sadd.s32 s9, s10;
	[sflag:s3] =	ssyncadd.s32 $0xFFFFF800  }
0x14: {  	[tilespmem:s2], [sflag:$0x2] =	stream.linear.gather [hbm4b:s9+s2], $0x20, $0x38;
	[tilespmem:$0xC20] =	vst v63  }
0x15: {  	s15 =	sshrl.u32 s30, $0x1;
	s13 =	sshll.u32 s13, $0x2;
	_ =	swait.ge [sflag:s3], $0x20  }
0x16: {  	s31 =	ssub.s32 s30, s15;
	s10 =	sadd.s32 $0xC5400, s12;
	[sflag:s3] =	ssyncset.done $0x0  }
0x17: {  	s12 =	sadd.s32 s13, s12;
	s13 =	smax.u32 s31, $0x1;
	[sflag:s3] =	ssyncadd.s32 $0xFFFFFFE0  }
0x18: {  	[tilespmem:s11], [sflag:$0x1] =	stream.indirect.gather [hbm4b:s10+s6], $0x20, s2, s6, $0xb8;
	[tilespmem:$0xC20] =	vst v63  }
0x19: {  	p0 =	sne.s32 s13, $0x1;
	_ =	swait.ge [sflag:s7], $0x400  }
.Ltmp0:
0x1a: {  	[sflag:s7] =	ssyncset.done $0x0;
	(pc) =	sbr.rel @!p0 .LBB2_2-.Ltmp0, $4  }
0x1b: {  	s12 =	sadd.s32 $0x127000, s12;
	[sflag:s7] =	ssyncadd.s32 $0xFFFFFC00  }
0x1c: {  	[hbm4b:s12+s2] =	stream.linear.scatter [tilespmem:s11], [sflag:$0x2], $0x400, $0x38;
	[tilespmem:$0xC20] =	vst v63  }
0x1d: {  	_ =	swait.ge [sflag:s3], $0x400  }
0x1e: {  	s13 =	sadd.s32 $0xFFFFFFFF, s13;
	[sflag:s3] =	ssyncset.done $0x0  }
.LBB2_1:
0x1f: {  	p0 =	sne.s32 s13, $0x1;
	s13 =	sadd.s32 $0xFFFFFFFF, s13;
	[sflag:s3] =	ssyncadd.s32 $0xFFFFFC00  }
0x20: {  	[tilespmem:s2], [sflag:$0x2] =	stream.linear.gather [hbm4b:s4+s2], $0x20, $0x38;
	[tilespmem:$0xC20] =	vst v63  }
0x21: {  	_ =	swait.ge [sflag:s3], $0x20  }
0x22: {  	[sflag:s3] =	ssyncset.done $0x0  }
0x23: {  	[sflag:s3] =	ssyncadd.s32 $0xFFFFFFE0  }
0x24: {  	[tilespmem:s6], [sflag:$0x1] =	stream.indirect.gather [hbm4b:s5+s6], $0x40, s2, s6, $0xb8;
	[tilespmem:$0xC20] =	vst v63  }
0x25: {  	_ =	swait.ge [sflag:s7], $0x800  }
0x26: {  	[sflag:s7] =	ssyncset.done $0x0  }
0x27: {  	[sflag:s7] =	ssyncadd.s32 $0xFFFFF800  }
0x28: {  	[hbm4b:s8+s2] =	stream.linear.scatter [tilespmem:s6], [sflag:$0x2], $0x800, $0x38;
	[tilespmem:$0xC20] =	vst v63  }
0x29: {  	_ =	swait.ge [sflag:s3], $0x800  }
0x2a: {  	[sflag:s3] =	ssyncset.done $0x0  }
0x2b: {  	[sflag:s3] =	ssyncadd.s32 $0xFFFFF800  }
0x2c: {  	[tilespmem:s2], [sflag:$0x2] =	stream.linear.gather [hbm4b:s9+s2], $0x20, $0x38;
	[tilespmem:$0xC20] =	vst v63  }
0x2d: {  	_ =	swait.ge [sflag:s3], $0x20  }
0x2e: {  	[sflag:s3] =	ssyncset.done $0x0  }
0x2f: {  	[sflag:s3] =	ssyncadd.s32 $0xFFFFFFE0  }
0x30: {  	[tilespmem:s11], [sflag:$0x1] =	stream.indirect.gather [hbm4b:s10+s6], $0x20, s2, s6, $0xb8;
	[tilespmem:$0xC20] =	vst v63  }
0x31: {  	_ =	swait.ge [sflag:s7], $0x400  }
.Ltmp1:
0x32: {  	[sflag:s7] =	ssyncset.done $0x0;
	(pc) =	sbr.rel @p0 .LBB2_1-.Ltmp1, $4  }
0x33: {  	[sflag:s7] =	ssyncadd.s32 $0xFFFFFC00  }
0x34: {  	[hbm4b:s12+s2] =	stream.linear.scatter [tilespmem:s11], [sflag:$0x2], $0x400, $0x38;
	[tilespmem:$0xC20] =	vst v63  }
0x35: {  	_ =	swait.ge [sflag:s3], $0x400  }
0x36: {  	[sflag:s3] =	ssyncset.done $0x0  }
.LBB2_2:
0x37: {  	[sflag:s3] =	ssyncadd.s32 $0xFFFFFC00  }
0x38: {  	_ =	sfence.sel $0x180000  }
0x39: {  	[bflag:$0x0] =	sbarrier.arrive $0xFFFF  }
0x3a: {  	p0 =	sne.s32 s0, $0x0;
	_ =	strace $0x90000047  }
0x3b: {  	s0 =	sadd.s32 @!p0 $0x100000, s1;
	[bflag:$0x2] =	sbarrier.arrive $0xFFFF  }
0x3c: {  	[sflag:s0] =	ssyncadd.tile.s32 @!p0 $0x1;
	_ =	shalt  }
.Lfunc_end2:
_tile_overlayer_lowered:
.L_overlay_start_2:
0x3d: {  	(tag) =	ssettag $0x2  }
0x3e: {  	s0 =	rddreg [dreg:$0x0];
	s2 =	stileid.u32  }
0x3f: {  	s1 =	rddreg [dreg:$0x1];
	p0 =	sne.s32 s2, $0x0  }
0x40: {  	s3 =	rddreg [dreg:$0x2];
	[bflag:$0x3] =	sbarrier.arrive $0xFFFF;
	s2 =	simm.s32 @!p0 $0x1C02  }
0x41: {  	[timem:s3], [sflag:s2] =	dma.local @!p0 [hbm:s0], s1  }
0x42: {  	s0 =	simm.s32 @!p0 $0x2  }
0x43: {  	_ =	swait.ge @!p0 [sflag:s0], s1  }
0x44: {  	s1 =	ssub.s32 @!p0 $0x0, s1;
	[sflag:s0] =	ssyncset.done @!p0 $0x0  }
0x45: {  	[sflag:s0] =	ssyncadd.s32 @!p0 s1  }
0x46: {  	[bflag:$0x3] =	sbarrier.arrive $0xFFFF  }
0x47: {  	_ =	shalt  }

</sc_bundles>
